<compile_context>
chip_gen: v7x
topology: tpu7x:2x2x1
jax: 0.10.2.dev20260603
libtpu: 0.0.44.dev20260713+nightly
codegen_flags: <defaults>
</compile_context>

<pallas_src>
import jax
import jax.numpy as jnp
from jax import lax
from jax.experimental import pallas as pl
from jax.experimental.pallas import tpu as pltpu
from jax.experimental.pallas import tpu_sc as plsc

_LAMBDA_POINT = 20.0

_B, _T, _H, _W = 8, 16, 256, 256
_N = 512
_BT = _B * _T
_NC, _NS, _L = 2, 16, 16
_NW = _NC * _NS
_BT_PER_W = _BT // _NW
_PTS_PER_W = _BT_PER_W * _N


def _point_loss_sc(pred_hbm, rows_hbm, cols_hbm, sv_hbm, out_hbm,
                   rows_v, cols_v, img_v, sv_v, acc_v, sem):
    cid = lax.axis_index("c")
    sid = lax.axis_index("s")
    wid = cid * _NS + sid

    pltpu.sync_copy(rows_hbm, rows_v)
    pltpu.sync_copy(cols_hbm, cols_v)
    pltpu.sync_copy(sv_hbm.at[pl.ds(wid * _PTS_PER_W, _PTS_PER_W)], sv_v)

    acc = jnp.zeros((_L,), jnp.float32)
    for img in range(_BT_PER_W):
        row0 = (wid * _BT_PER_W + img) * _H
        pltpu.async_copy(pred_hbm.at[pl.ds(row0, _H), :], img_v, sem).wait()

        def chunk(i, a, img=img):
            sl = pl.ds(i * _L, _L)
            g = plsc.load_gather(img_v, [rows_v[sl], cols_v[sl]])
            d = g - sv_v[pl.ds(img * _N + i * _L, _L)]
            return a + d * d

        acc = lax.fori_loop(0, _N // _L, chunk, acc)

    acc_v[...] = acc * (_LAMBDA_POINT / (_BT * _N))
    pltpu.sync_copy(acc_v, out_hbm.at[wid])


@jax.jit
def kernel(pred, s_coords, s_values):
    pred2d = pred.reshape(_BT * _H, _W)
    rows = s_coords[:, 0].astype(jnp.int32)
    cols = s_coords[:, 1].astype(jnp.int32)
    sv = s_values.reshape(-1).astype(jnp.float32)

    mesh = plsc.VectorSubcoreMesh(core_axis_name="c", subcore_axis_name="s")
    f = pl.kernel(
        _point_loss_sc,
        mesh=mesh,
        out_type=jax.ShapeDtypeStruct((_NW, _L), jnp.float32),
        compiler_params=pltpu.CompilerParams(needs_layout_passes=False),
        scratch_types=[
            pltpu.VMEM((_N,), jnp.int32),
            pltpu.VMEM((_N,), jnp.int32),
            pltpu.VMEM((_H, _W), jnp.float32),
            pltpu.VMEM((_PTS_PER_W,), jnp.float32),
            pltpu.VMEM((_L,), jnp.float32),
            pltpu.SemaphoreType.DMA,
        ],
    )
    partial = f(pred2d, rows, cols, sv)
    return jnp.sum(partial)

# --- scband reference (transcript-rebuilt; emitter-appended) ---
"""Pipeline reference for scband-point-loss-10557029613916 (READ-ONLY COPY).

The authoritative reference and input builder live on the scoring server;
editing this copy changes nothing except your own understanding.
"""

import jax, jax.numpy as jnp
import numpy as np

LAMBDA_POINT = 20.0

def setup_inputs(seed: int = 0) -> dict:
    key = jax.random.key(seed)
    k1, k2, k3 = jax.random.split(key, 3)
    pred = jax.random.normal(k1, (8, 16, 1, 256, 256), dtype=jnp.float32)
    s_coords = jax.random.randint(k2, (512, 2), 0, 256, dtype=jnp.int64)
    s_values = jax.random.normal(k3, (8, 16, 512), dtype=jnp.float32)
    return {"pred": pred, "s_coords": s_coords, "s_values": s_values}

def reference(pred, s_coords, s_values):
    # Faithful translation of PointLoss.forward.
    # Original loops over (b, t) and computes F.mse_loss(pred[b,t,0,rows,cols], s_values[b,t])
    # (mean over N points), sums over all (b,t), then multiplies lambda/(B*T).
    B, T = pred.shape[0], pred.shape[1]
    rows = s_coords[:, 0]
    cols = s_coords[:, 1]
    # gather: [B, T, N]
    gathered = pred[:, :, 0, rows, cols]
    per_bt_mse = jnp.mean((gathered - s_values) ** 2, axis=-1)  # [B, T]
    loss = jnp.sum(per_bt_mse)
    return LAMBDA_POINT * loss / (B * T)

if False:  # reference __main__ guard neutralized (emitter)
    out = reference(**setup_inputs())
    print(out)

if __name__ == "__main__":
    import jax
    _d = setup_inputs()
    print(jax.jit(kernel)(*tuple(_d.values())))

</pallas_src>

<mosaic_0001>
#map = affine_map<(d0, d1) -> (0, 0)>
#map1 = affine_map<(d0, d1) -> (0)>
module attributes {stable_mosaic.version = 14 : i64} {
  func.func @_point_loss_sc(%arg0: i32, %arg1: i32, %arg2: memref<32768x256xf32, #tpu.memory_space<hbm>>, %arg3: memref<512xi32, #tpu.memory_space<hbm>>, %arg4: memref<512xi32, #tpu.memory_space<hbm>>, %arg5: memref<65536xf32, #tpu.memory_space<hbm>>, %arg6: memref<32x16xf32, #tpu.memory_space<hbm>>, %arg7: memref<512xi32, #tpu.memory_space<vmem>>, %arg8: memref<512xi32, #tpu.memory_space<vmem>>, %arg9: memref<256x256xf32, #tpu.memory_space<vmem>>, %arg10: memref<2048xf32, #tpu.memory_space<vmem>>, %arg11: memref<16xf32, #tpu.memory_space<vmem>>, %arg12: memref<!tpu.dma_semaphore, #tpu.memory_space<semaphore_mem>>) attributes {dimension_semantics = [#tpu.dimension_semantics<core_parallel>, #tpu.dimension_semantics<subcore_parallel>], iteration_bounds = array<i64: 2, 16>, scalar_prefetch = 0 : i64, scratch_operands = 6 : i64, tpu.core_type = #tpu.core_type<sc_vector_subcore>, window_params = [{transform_indices = #map}, {transform_indices = #map1}, {transform_indices = #map1}, {transform_indices = #map1}, {transform_indices = #map}]} {
    %mul3A = arith.constant 16 : i32
    %mul3A_0 = arith.muli %arg0, %mul3A : i32
    %add3A = arith.addi %mul3A_0, %arg1 : i32
    "tpu.region"() ({
      %run_scoped3A = tpu.sem_alloc : memref<!tpu.dma_semaphore, #tpu.memory_space<semaphore_mem>>
      tpu.enqueue_dma source(%arg3 : memref<512xi32, #tpu.memory_space<hbm>>) target(%arg7 : memref<512xi32, #tpu.memory_space<vmem>>) target_semaphore(%run_scoped3A : memref<!tpu.dma_semaphore, #tpu.memory_space<semaphore_mem>>)
      tpu.wait_dma2 semaphore(%run_scoped3A : memref<!tpu.dma_semaphore, #tpu.memory_space<semaphore_mem>>) src(%arg3 : memref<512xi32, #tpu.memory_space<hbm>>) dst(%arg7 : memref<512xi32, #tpu.memory_space<vmem>>)
      tpu.yield
    }) : () -> ()
    "tpu.region"() ({
      %run_scoped3A = tpu.sem_alloc : memref<!tpu.dma_semaphore, #tpu.memory_space<semaphore_mem>>
      tpu.enqueue_dma source(%arg4 : memref<512xi32, #tpu.memory_space<hbm>>) target(%arg8 : memref<512xi32, #tpu.memory_space<vmem>>) target_semaphore(%run_scoped3A : memref<!tpu.dma_semaphore, #tpu.memory_space<semaphore_mem>>)
      tpu.wait_dma2 semaphore(%run_scoped3A : memref<!tpu.dma_semaphore, #tpu.memory_space<semaphore_mem>>) src(%arg4 : memref<512xi32, #tpu.memory_space<hbm>>) dst(%arg8 : memref<512xi32, #tpu.memory_space<vmem>>)
      tpu.yield
    }) : () -> ()
    %mul3A_1 = arith.constant 2048 : i32
    %mul3A_2 = arith.muli %add3A, %mul3A_1 : i32
    "tpu.region"() ({
      %run_scoped3A = tpu.sem_alloc : memref<!tpu.dma_semaphore, #tpu.memory_space<semaphore_mem>>
      %dma_start3A_85 = tpu.memref_slice %arg5[%mul3A_2] : memref<65536xf32, #tpu.memory_space<hbm>> -> memref<2048xf32, #tpu.memory_space<hbm>>
      %dma_start3A_86 = tpu.memref_slice %arg5[%mul3A_2] : memref<65536xf32, #tpu.memory_space<hbm>> -> memref<2048xf32, #tpu.memory_space<hbm>>
      tpu.enqueue_dma source(%dma_start3A_86 : memref<2048xf32, #tpu.memory_space<hbm>>) target(%arg10 : memref<2048xf32, #tpu.memory_space<vmem>>) target_semaphore(%run_scoped3A : memref<!tpu.dma_semaphore, #tpu.memory_space<semaphore_mem>>)
      %dma_wait3A_87 = tpu.memref_slice %arg5[%mul3A_2] : memref<65536xf32, #tpu.memory_space<hbm>> -> memref<2048xf32, #tpu.memory_space<hbm>>
      %dma_wait3A_88 = tpu.memref_slice %arg5[%mul3A_2] : memref<65536xf32, #tpu.memory_space<hbm>> -> memref<2048xf32, #tpu.memory_space<hbm>>
      tpu.wait_dma2 semaphore(%run_scoped3A : memref<!tpu.dma_semaphore, #tpu.memory_space<semaphore_mem>>) src(%dma_wait3A_88 : memref<2048xf32, #tpu.memory_space<hbm>>) dst(%arg10 : memref<2048xf32, #tpu.memory_space<vmem>>)
      tpu.yield
    }) : () -> ()
    %broadcast_in_dim3A = arith.constant 0.000000e+00 : f32
    %broadcast_in_dim3A_3 = vector.broadcast %broadcast_in_dim3A : f32 to vector<16xf32>
    %mul3A_4 = arith.constant 4 : i32
    %mul3A_5 = arith.muli %add3A, %mul3A_4 : i32
    %add3A_6 = arith.constant 0 : i32
    %add3A_7 = arith.addi %mul3A_5, %add3A_6 : i32
    %mul3A_8 = arith.constant 256 : i32
    %mul3A_9 = arith.muli %add3A_7, %mul3A_8 : i32
    %dma_start3A = arith.constant 0 : i32
    %dma_start3A_10 = tpu.memref_slice %arg2[%mul3A_9, %dma_start3A] : memref<32768x256xf32, #tpu.memory_space<hbm>> -> memref<256x256xf32, #tpu.memory_space<hbm>>
    %dma_start3A_11 = arith.constant 0 : i32
    %dma_start3A_12 = tpu.memref_slice %arg2[%mul3A_9, %dma_start3A_11] : memref<32768x256xf32, #tpu.memory_space<hbm>> -> memref<256x256xf32, #tpu.memory_space<hbm>>
    tpu.enqueue_dma source(%dma_start3A_12 : memref<256x256xf32, #tpu.memory_space<hbm>>) target(%arg9 : memref<256x256xf32, #tpu.memory_space<vmem>>) target_semaphore(%arg12 : memref<!tpu.dma_semaphore, #tpu.memory_space<semaphore_mem>>)
    %dma_wait3A = arith.constant 0 : i32
    %dma_wait3A_13 = tpu.memref_slice %arg2[%mul3A_9, %dma_wait3A] : memref<32768x256xf32, #tpu.memory_space<hbm>> -> memref<256x256xf32, #tpu.memory_space<hbm>>
    %dma_wait3A_14 = arith.constant 0 : i32
    %dma_wait3A_15 = tpu.memref_slice %arg2[%mul3A_9, %dma_wait3A_14] : memref<32768x256xf32, #tpu.memory_space<hbm>> -> memref<256x256xf32, #tpu.memory_space<hbm>>
    tpu.wait_dma2 semaphore(%arg12 : memref<!tpu.dma_semaphore, #tpu.memory_space<semaphore_mem>>) src(%dma_wait3A_15 : memref<256x256xf32, #tpu.memory_space<hbm>>) dst(%arg9 : memref<256x256xf32, #tpu.memory_space<vmem>>)
    %scan3A = arith.constant 0 : i32
    %scan3A_16 = arith.constant 32 : i32
    %scan3A_17 = arith.addi %scan3A, %scan3A_16 : i32
    %scan3A_18 = arith.constant 1 : i32
    %scan3A_19 = scf.for %scan3A_85 = %scan3A to %scan3A_17 step %scan3A_18 iter_args(%scan3A_86 = %broadcast_in_dim3A_3) -> (vector<16xf32>)  : i32 {
      %mul3A_87 = arith.constant 16 : i32
      %mul3A_88 = arith.muli %scan3A_85, %mul3A_87 : i32
      %get3A = arith.index_cast %mul3A_88 : i32 to index
      %get3A_89 = tpu.vector_load %arg7[%get3A] {strides = array<i32>} : memref<512xi32, #tpu.memory_space<vmem>>, vector<16xi32>,
      %get3A_90 = arith.index_cast %mul3A_88 : i32 to index
      %get3A_91 = tpu.vector_load %arg8[%get3A_90] {strides = array<i32>} : memref<512xi32, #tpu.memory_space<vmem>>, vector<16xi32>,
      %gather3A = tpu.vector_load_idx %arg9[%get3A_89, %get3A_91] : memref<256x256xf32, #tpu.memory_space<vmem>>[vector<16xi32>, vector<16xi32>], vector<16xf32>,
      %mul3A_92 = arith.constant 16 : i32
      %mul3A_93 = arith.muli %scan3A_85, %mul3A_92 : i32
      %add3A_94 = arith.constant 0 : i32
      %add3A_95 = arith.addi %add3A_94, %mul3A_93 : i32
      %get3A_96 = arith.index_cast %add3A_95 : i32 to index
      %get3A_97 = tpu.vector_load %arg10[%get3A_96] {strides = array<i32>} : memref<2048xf32, #tpu.memory_space<vmem>>, vector<16xf32>,
      %sub3A = arith.subf %gather3A, %get3A_97 : vector<16xf32>
      %mul3A_98 = arith.mulf %sub3A, %sub3A : vector<16xf32>
      %add3A_99 = arith.addf %scan3A_86, %mul3A_98 : vector<16xf32>
      scf.yield %add3A_99 : vector<16xf32>
    }
    %scan3A_20 = arith.constant 32 : i32
    %mul3A_21 = arith.constant 4 : i32
    %mul3A_22 = arith.muli %add3A, %mul3A_21 : i32
    %add3A_23 = arith.constant 1 : i32
    %add3A_24 = arith.addi %mul3A_22, %add3A_23 : i32
    %mul3A_25 = arith.constant 256 : i32
    %mul3A_26 = arith.muli %add3A_24, %mul3A_25 : i32
    %dma_start3A_27 = arith.constant 0 : i32
    %dma_start3A_28 = tpu.memref_slice %arg2[%mul3A_26, %dma_start3A_27] : memref<32768x256xf32, #tpu.memory_space<hbm>> -> memref<256x256xf32, #tpu.memory_space<hbm>>
    %dma_start3A_29 = arith.constant 0 : i32
    %dma_start3A_30 = tpu.memref_slice %arg2[%mul3A_26, %dma_start3A_29] : memref<32768x256xf32, #tpu.memory_space<hbm>> -> memref<256x256xf32, #tpu.memory_space<hbm>>
    tpu.enqueue_dma source(%dma_start3A_30 : memref<256x256xf32, #tpu.memory_space<hbm>>) target(%arg9 : memref<256x256xf32, #tpu.memory_space<vmem>>) target_semaphore(%arg12 : memref<!tpu.dma_semaphore, #tpu.memory_space<semaphore_mem>>)
    %dma_wait3A_31 = arith.constant 0 : i32
    %dma_wait3A_32 = tpu.memref_slice %arg2[%mul3A_26, %dma_wait3A_31] : memref<32768x256xf32, #tpu.memory_space<hbm>> -> memref<256x256xf32, #tpu.memory_space<hbm>>
    %dma_wait3A_33 = arith.constant 0 : i32
    %dma_wait3A_34 = tpu.memref_slice %arg2[%mul3A_26, %dma_wait3A_33] : memref<32768x256xf32, #tpu.memory_space<hbm>> -> memref<256x256xf32, #tpu.memory_space<hbm>>
    tpu.wait_dma2 semaphore(%arg12 : memref<!tpu.dma_semaphore, #tpu.memory_space<semaphore_mem>>) src(%dma_wait3A_34 : memref<256x256xf32, #tpu.memory_space<hbm>>) dst(%arg9 : memref<256x256xf32, #tpu.memory_space<vmem>>)
    %scan3A_35 = arith.constant 0 : i32
    %scan3A_36 = arith.constant 32 : i32
    %scan3A_37 = arith.addi %scan3A_35, %scan3A_36 : i32
    %scan3A_38 = arith.constant 1 : i32
    %scan3A_39 = scf.for %scan3A_85 = %scan3A_35 to %scan3A_37 step %scan3A_38 iter_args(%scan3A_86 = %scan3A_19) -> (vector<16xf32>)  : i32 {
      %mul3A_87 = arith.constant 16 : i32
      %mul3A_88 = arith.muli %scan3A_85, %mul3A_87 : i32
      %get3A = arith.index_cast %mul3A_88 : i32 to index
      %get3A_89 = tpu.vector_load %arg7[%get3A] {strides = array<i32>} : memref<512xi32, #tpu.memory_space<vmem>>, vector<16xi32>,
      %get3A_90 = arith.index_cast %mul3A_88 : i32 to index
      %get3A_91 = tpu.vector_load %arg8[%get3A_90] {strides = array<i32>} : memref<512xi32, #tpu.memory_space<vmem>>, vector<16xi32>,
      %gather3A = tpu.vector_load_idx %arg9[%get3A_89, %get3A_91] : memref<256x256xf32, #tpu.memory_space<vmem>>[vector<16xi32>, vector<16xi32>], vector<16xf32>,
      %mul3A_92 = arith.constant 16 : i32
      %mul3A_93 = arith.muli %scan3A_85, %mul3A_92 : i32
      %add3A_94 = arith.constant 512 : i32
      %add3A_95 = arith.addi %add3A_94, %mul3A_93 : i32
      %get3A_96 = arith.index_cast %add3A_95 : i32 to index
      %get3A_97 = tpu.vector_load %arg10[%get3A_96] {strides = array<i32>} : memref<2048xf32, #tpu.memory_space<vmem>>, vector<16xf32>,
      %sub3A = arith.subf %gather3A, %get3A_97 : vector<16xf32>
      %mul3A_98 = arith.mulf %sub3A, %sub3A : vector<16xf32>
      %add3A_99 = arith.addf %scan3A_86, %mul3A_98 : vector<16xf32>
      scf.yield %add3A_99 : vector<16xf32>
    }
    %scan3A_40 = arith.constant 32 : i32
    %mul3A_41 = arith.constant 4 : i32
    %mul3A_42 = arith.muli %add3A, %mul3A_41 : i32
    %add3A_43 = arith.constant 2 : i32
    %add3A_44 = arith.addi %mul3A_42, %add3A_43 : i32
    %mul3A_45 = arith.constant 256 : i32
    %mul3A_46 = arith.muli %add3A_44, %mul3A_45 : i32
    %dma_start3A_47 = arith.constant 0 : i32
    %dma_start3A_48 = tpu.memref_slice %arg2[%mul3A_46, %dma_start3A_47] : memref<32768x256xf32, #tpu.memory_space<hbm>> -> memref<256x256xf32, #tpu.memory_space<hbm>>
    %dma_start3A_49 = arith.constant 0 : i32
    %dma_start3A_50 = tpu.memref_slice %arg2[%mul3A_46, %dma_start3A_49] : memref<32768x256xf32, #tpu.memory_space<hbm>> -> memref<256x256xf32, #tpu.memory_space<hbm>>
    tpu.enqueue_dma source(%dma_start3A_50 : memref<256x256xf32, #tpu.memory_space<hbm>>) target(%arg9 : memref<256x256xf32, #tpu.memory_space<vmem>>) target_semaphore(%arg12 : memref<!tpu.dma_semaphore, #tpu.memory_space<semaphore_mem>>)
    %dma_wait3A_51 = arith.constant 0 : i32
    %dma_wait3A_52 = tpu.memref_slice %arg2[%mul3A_46, %dma_wait3A_51] : memref<32768x256xf32, #tpu.memory_space<hbm>> -> memref<256x256xf32, #tpu.memory_space<hbm>>
    %dma_wait3A_53 = arith.constant 0 : i32
    %dma_wait3A_54 = tpu.memref_slice %arg2[%mul3A_46, %dma_wait3A_53] : memref<32768x256xf32, #tpu.memory_space<hbm>> -> memref<256x256xf32, #tpu.memory_space<hbm>>
    tpu.wait_dma2 semaphore(%arg12 : memref<!tpu.dma_semaphore, #tpu.memory_space<semaphore_mem>>) src(%dma_wait3A_54 : memref<256x256xf32, #tpu.memory_space<hbm>>) dst(%arg9 : memref<256x256xf32, #tpu.memory_space<vmem>>)
    %scan3A_55 = arith.constant 0 : i32
    %scan3A_56 = arith.constant 32 : i32
    %scan3A_57 = arith.addi %scan3A_55, %scan3A_56 : i32
    %scan3A_58 = arith.constant 1 : i32
    %scan3A_59 = scf.for %scan3A_85 = %scan3A_55 to %scan3A_57 step %scan3A_58 iter_args(%scan3A_86 = %scan3A_39) -> (vector<16xf32>)  : i32 {
      %mul3A_87 = arith.constant 16 : i32
      %mul3A_88 = arith.muli %scan3A_85, %mul3A_87 : i32
      %get3A = arith.index_cast %mul3A_88 : i32 to index
      %get3A_89 = tpu.vector_load %arg7[%get3A] {strides = array<i32>} : memref<512xi32, #tpu.memory_space<vmem>>, vector<16xi32>,
      %get3A_90 = arith.index_cast %mul3A_88 : i32 to index
      %get3A_91 = tpu.vector_load %arg8[%get3A_90] {strides = array<i32>} : memref<512xi32, #tpu.memory_space<vmem>>, vector<16xi32>,
      %gather3A = tpu.vector_load_idx %arg9[%get3A_89, %get3A_91] : memref<256x256xf32, #tpu.memory_space<vmem>>[vector<16xi32>, vector<16xi32>], vector<16xf32>,
      %mul3A_92 = arith.constant 16 : i32
      %mul3A_93 = arith.muli %scan3A_85, %mul3A_92 : i32
      %add3A_94 = arith.constant 1024 : i32
      %add3A_95 = arith.addi %add3A_94, %mul3A_93 : i32
      %get3A_96 = arith.index_cast %add3A_95 : i32 to index
      %get3A_97 = tpu.vector_load %arg10[%get3A_96] {strides = array<i32>} : memref<2048xf32, #tpu.memory_space<vmem>>, vector<16xf32>,
      %sub3A = arith.subf %gather3A, %get3A_97 : vector<16xf32>
      %mul3A_98 = arith.mulf %sub3A, %sub3A : vector<16xf32>
      %add3A_99 = arith.addf %scan3A_86, %mul3A_98 : vector<16xf32>
      scf.yield %add3A_99 : vector<16xf32>
    }
    %scan3A_60 = arith.constant 32 : i32
    %mul3A_61 = arith.constant 4 : i32
    %mul3A_62 = arith.muli %add3A, %mul3A_61 : i32
    %add3A_63 = arith.constant 3 : i32
    %add3A_64 = arith.addi %mul3A_62, %add3A_63 : i32
    %mul3A_65 = arith.constant 256 : i32
    %mul3A_66 = arith.muli %add3A_64, %mul3A_65 : i32
    %dma_start3A_67 = arith.constant 0 : i32
    %dma_start3A_68 = tpu.memref_slice %arg2[%mul3A_66, %dma_start3A_67] : memref<32768x256xf32, #tpu.memory_space<hbm>> -> memref<256x256xf32, #tpu.memory_space<hbm>>
    %dma_start3A_69 = arith.constant 0 : i32
    %dma_start3A_70 = tpu.memref_slice %arg2[%mul3A_66, %dma_start3A_69] : memref<32768x256xf32, #tpu.memory_space<hbm>> -> memref<256x256xf32, #tpu.memory_space<hbm>>
    tpu.enqueue_dma source(%dma_start3A_70 : memref<256x256xf32, #tpu.memory_space<hbm>>) target(%arg9 : memref<256x256xf32, #tpu.memory_space<vmem>>) target_semaphore(%arg12 : memref<!tpu.dma_semaphore, #tpu.memory_space<semaphore_mem>>)
    %dma_wait3A_71 = arith.constant 0 : i32
    %dma_wait3A_72 = tpu.memref_slice %arg2[%mul3A_66, %dma_wait3A_71] : memref<32768x256xf32, #tpu.memory_space<hbm>> -> memref<256x256xf32, #tpu.memory_space<hbm>>
    %dma_wait3A_73 = arith.constant 0 : i32
    %dma_wait3A_74 = tpu.memref_slice %arg2[%mul3A_66, %dma_wait3A_73] : memref<32768x256xf32, #tpu.memory_space<hbm>> -> memref<256x256xf32, #tpu.memory_space<hbm>>
    tpu.wait_dma2 semaphore(%arg12 : memref<!tpu.dma_semaphore, #tpu.memory_space<semaphore_mem>>) src(%dma_wait3A_74 : memref<256x256xf32, #tpu.memory_space<hbm>>) dst(%arg9 : memref<256x256xf32, #tpu.memory_space<vmem>>)
    %scan3A_75 = arith.constant 0 : i32
    %scan3A_76 = arith.constant 32 : i32
    %scan3A_77 = arith.addi %scan3A_75, %scan3A_76 : i32
    %scan3A_78 = arith.constant 1 : i32
    %scan3A_79 = scf.for %scan3A_85 = %scan3A_75 to %scan3A_77 step %scan3A_78 iter_args(%scan3A_86 = %scan3A_59) -> (vector<16xf32>)  : i32 {
      %mul3A_87 = arith.constant 16 : i32
      %mul3A_88 = arith.muli %scan3A_85, %mul3A_87 : i32
      %get3A = arith.index_cast %mul3A_88 : i32 to index
      %get3A_89 = tpu.vector_load %arg7[%get3A] {strides = array<i32>} : memref<512xi32, #tpu.memory_space<vmem>>, vector<16xi32>,
      %get3A_90 = arith.index_cast %mul3A_88 : i32 to index
      %get3A_91 = tpu.vector_load %arg8[%get3A_90] {strides = array<i32>} : memref<512xi32, #tpu.memory_space<vmem>>, vector<16xi32>,
      %gather3A = tpu.vector_load_idx %arg9[%get3A_89, %get3A_91] : memref<256x256xf32, #tpu.memory_space<vmem>>[vector<16xi32>, vector<16xi32>], vector<16xf32>,
      %mul3A_92 = arith.constant 16 : i32
      %mul3A_93 = arith.muli %scan3A_85, %mul3A_92 : i32
      %add3A_94 = arith.constant 1536 : i32
      %add3A_95 = arith.addi %add3A_94, %mul3A_93 : i32
      %get3A_96 = arith.index_cast %add3A_95 : i32 to index
      %get3A_97 = tpu.vector_load %arg10[%get3A_96] {strides = array<i32>} : memref<2048xf32, #tpu.memory_space<vmem>>, vector<16xf32>,
      %sub3A = arith.subf %gather3A, %get3A_97 : vector<16xf32>
      %mul3A_98 = arith.mulf %sub3A, %sub3A : vector<16xf32>
      %add3A_99 = arith.addf %scan3A_86, %mul3A_98 : vector<16xf32>
      scf.yield %add3A_99 : vector<16xf32>
    }
    %scan3A_80 = arith.constant 32 : i32
    %mul3A_81 = arith.constant 3.05175781E-4 : f32
    %mul3A_82 = vector.broadcast %mul3A_81 : f32 to vector<16xf32>
    %mul3A_83 = arith.mulf %scan3A_79, %mul3A_82 : vector<16xf32>
    %swap3A = arith.constant 0 : index
    %swap3A_84 = tpu.vector_load %arg11[%swap3A] {strides = array<i32>} : memref<16xf32, #tpu.memory_space<vmem>>, vector<16xf32>,
    tpu.vector_store %arg11[%swap3A], %mul3A_83 {strides = array<i32>} : memref<16xf32, #tpu.memory_space<vmem>>, vector<16xf32>,
    "tpu.region"() ({
      %run_scoped3A = tpu.sem_alloc : memref<!tpu.dma_semaphore, #tpu.memory_space<semaphore_mem>>
      %dma_start3A_85 = arith.constant 0 : i32
      %dma_start3A_86 = tpu.memref_slice %arg6[%add3A, %dma_start3A_85] : memref<32x16xf32, #tpu.memory_space<hbm>> -> memref<1x16xf32, #tpu.memory_space<hbm>>
      %dma_start3A_87 = tpu.memref_squeeze %dma_start3A_86 : memref<1x16xf32, #tpu.memory_space<hbm>> -> memref<16xf32, #tpu.memory_space<hbm>>
      %dma_start3A_88 = arith.constant 0 : i32
      %dma_start3A_89 = tpu.memref_slice %arg6[%add3A, %dma_start3A_88] : memref<32x16xf32, #tpu.memory_space<hbm>> -> memref<1x16xf32, #tpu.memory_space<hbm>>
      %dma_start3A_90 = tpu.memref_squeeze %dma_start3A_89 : memref<1x16xf32, #tpu.memory_space<hbm>> -> memref<16xf32, #tpu.memory_space<hbm>>
      tpu.enqueue_dma source(%arg11 : memref<16xf32, #tpu.memory_space<vmem>>) target(%dma_start3A_90 : memref<16xf32, #tpu.memory_space<hbm>>) target_semaphore(%run_scoped3A : memref<!tpu.dma_semaphore, #tpu.memory_space<semaphore_mem>>)
      %dma_wait3A_91 = arith.constant 0 : i32
      %dma_wait3A_92 = tpu.memref_slice %arg6[%add3A, %dma_wait3A_91] : memref<32x16xf32, #tpu.memory_space<hbm>> -> memref<1x16xf32, #tpu.memory_space<hbm>>
      %dma_wait3A_93 = tpu.memref_squeeze %dma_wait3A_92 : memref<1x16xf32, #tpu.memory_space<hbm>> -> memref<16xf32, #tpu.memory_space<hbm>>
      %dma_wait3A_94 = arith.constant 0 : i32
      %dma_wait3A_95 = tpu.memref_slice %arg6[%add3A, %dma_wait3A_94] : memref<32x16xf32, #tpu.memory_space<hbm>> -> memref<1x16xf32, #tpu.memory_space<hbm>>
      %dma_wait3A_96 = tpu.memref_squeeze %dma_wait3A_95 : memref<1x16xf32, #tpu.memory_space<hbm>> -> memref<16xf32, #tpu.memory_space<hbm>>
      tpu.wait_dma2 semaphore(%run_scoped3A : memref<!tpu.dma_semaphore, #tpu.memory_space<semaphore_mem>>) src(%arg11 : memref<16xf32, #tpu.memory_space<vmem>>) dst(%dma_wait3A_96 : memref<16xf32, #tpu.memory_space<hbm>>)
      tpu.yield
    }) : () -> ()
    return
  }
}

</mosaic_0001>

<sc_bundles>
// kernel: kernel.3.cloned.1.call-start
scs
__scs_entry_jumppad:
0x0: {  	(pc) =	sbr.rel $0x88, $3  }
0x1: {  	(tag) =	ssettag $0x0;
	lr =	simm.s32 $0x1  }
0x2: {  	[smem:$0x3F9E] =	sst lr;
	_ =	strace $0xD0000000  }
0x3: {  	_ = 	snop  }
0x4: {  	_ = 	snop  }
0x5: {  	_ = 	snop  }
0x6: {  	_ = 	snop  }
0x7: {  	_ = 	snop  }
__scs_overlays_trampoline_lowered:
0x8: {  	[smem:$0x3FAD] =	sst s0  }
0x9: {  	[smem:$0x3FAE] =	sst s1  }
0xa: {  	[smem:$0x3FAF] =	sst s2  }
0xb: {  	[smem:$0x3FB0] =	sst s3  }
0xc: {  	[smem:$0x3FB1] =	sst s4  }
0xd: {  	[smem:$0x3FB2] =	sst s5  }
0xe: {  	[smem:$0x3FB3] =	sst s6  }
0xf: {  	[smem:$0x3FB4] =	sst s7  }
0x10: {  	[smem:$0x3FB5] =	sst s8  }
0x11: {  	[smem:$0x3FB6] =	sst s9;
	s0 =	simm.s32 @!p0 $0x0  }
0x12: {  	s1 =	sld [smem:$0x3F9C];
	s0 =	simm.s32 @p0 $0x1  }
0x13: {  	[smem:$0x3FB7] =	sst s0;
	s0 =	simm.s32 @!p1 $0x0  }
0x14: {  	s2 =	sld [smem:$0x3F9B];
	s0 =	simm.s32 @p1 $0x1  }
0x15: {  	[smem:$0x3FB8] =	sst s0;
	s0 =	simm.s32 @!p2 $0x0  }
0x16: {  	s3 =	sld [smem:$0x3FDB];
	s0 =	simm.s32 @p2 $0x1  }
0x17: {  	s4 =	simm.s32 $0x1BF5;
	[smem:$0x3FBA] =	sst s0  }
0x18: {  	s0 =	sld [smem:$0x3F9D];
	_ =	swait.ge [sflag:s4], $0x0  }
0x19: {  	s7 =	sld [smem:$0x3F9E]  }
0x1a: {  	s8 =	sadd.s32 $0xFFFFE003, lr  }
0x1b: {  	s9 =	sadd.s32 $0xFFFFFEF7, lr;
	s5 =	simm.s32 $0xFFFFFFFF;
	p2 =	slt.u32 s8, $0xFFFFF086  }
0x1c: {  	p1 =	slt.u32 s9, $0xF7A;
	s5 =	simm.s32 @!p2 $0x0  }
0x1d: {  	s5 =	simm.s32 @p1 $0x1;
	p0 =	seq.s32 s7, s2  }
0x1e: {  	s7 =	smul.u32 @!p0 $0xF7A, s2;
	p2 =	seq.s32 @!p0 s5, $0x0  }
0x1f: {  	s9 =	smul.u32 $0xF7A, s1;
	s8 =	simm.s32 @!p0 $0x1BF5;
	p2 =	por !p2, p0  }
0x20: {  	[sflag:s8] =	ssyncset.s32 @!p0 $0xFFFFF086;
	s6 =	sadd.s32 @!p0 s3, s7;
	s7 =	simm.s32 @!p0 $0x108  }
0x21: {  	s3 =	sadd.s32 s3, s9;
	s6 =	sadd.s32 @!p0 $0x88, s6;
	s7 =	simm.s32 @p2 $0x1082  }
0x22: {  	[simem:s7], [sflag:s8] =	dma.local @!p0 [hbm:s6], $0xF7A  }
0x23: {  	s9 =	sor.u32 $0xD0000000, s2;
	s6 =	simm.s32 $0x108;
	_ =	swait.ge @!p0 [sflag:s8], $0x0  }
0x24: {  	s3 =	sadd.s32 $0x88, s3;
	s6 =	simm.s32 @!p1 $0x1082;
	[sflag:s4] =	ssyncset.s32 $0xFFFFF086  }
0x25: {  	[simem:s6], [sflag:s4] =	dma.local [hbm:s3], $0xF7A  }
0x26: {  	[smem:$0x3F9E] =	sst s1;
	(tag) =	ssettag s2;
	_ =	strace s9  }
0x27: {  	s1 =	sld [smem:$0x3FAE]  }
0x28: {  	s2 =	sld [smem:$0x3FAF]  }
0x29: {  	s4 =	sld [smem:$0x3FB1]  }
0x2a: {  	p0 =	seq.s32 s5, $0x0;
	s5 =	sld [smem:$0x3FB2]  }
0x2b: {  	s6 =	sld [smem:$0x3FB3]  }
0x2c: {  	s7 =	sld [smem:$0x3FB4]  }
0x2d: {  	s3 =	simm.s32 $0x108;
	s8 =	sld [smem:$0x3FB5]  }
0x2e: {  	s3 =	simm.s32 @!p0 $0x1082;
	s9 =	sld [smem:$0x3FB6]  }
0x2f: {  	lr =	sadd.s32 s0, s3;
	s0 =	sld [smem:$0x3FAD]  }
0x30: {  	s3 =	sld [smem:$0x3FB0]  }
0x31: {  	[smem:$0x3FB9] =	sst s10  }
0x32: {  	s10 =	sld [smem:$0x3FB7];
	_ =	sdelay $0x3  }
0x33: {  	p0 =	seq.s32 s10, $0x1;
	s10 =	sld [smem:$0x3FB9];
	_ =	sdelay $0x3  }
0x34: {  	[smem:$0x3FB9] =	sst s10  }
0x35: {  	s10 =	sld [smem:$0x3FB8];
	_ =	sdelay $0x3  }
0x36: {  	p1 =	seq.s32 s10, $0x1;
	s10 =	sld [smem:$0x3FB9];
	_ =	sdelay $0x3  }
0x37: {  	[smem:$0x3FB9] =	sst s10  }
0x38: {  	s10 =	sld [smem:$0x3FBA]  }
0x39: {  	_ = 	snop;
	(pc) =	sbr.ind lr, $3  }
0x3a: {  	_ = 	snop  }
0x3b: {  	_ = 	snop  }
0x3c: {  	p2 =	seq.s32 s10, $0x1;
	s10 =	sld [smem:$0x3FB9]  }
0x3d: {  	_ =	shalt  }
0x3e: {  	_ =	shalt  }
0x3f: {  	_ =	shalt  }
0x40: {  	_ =	shalt  }
0x41: {  	_ =	shalt  }
0x42: {  	_ =	shalt  }
0x43: {  	_ =	shalt  }
0x44: {  	_ =	shalt  }
0x45: {  	_ =	shalt  }
0x46: {  	_ =	shalt  }
0x47: {  	_ =	shalt  }
0x48: {  	_ =	shalt  }
0x49: {  	_ =	shalt  }
0x4a: {  	_ =	shalt  }
0x4b: {  	_ =	shalt  }
0x4c: {  	_ =	shalt  }
0x4d: {  	_ =	shalt  }
0x4e: {  	_ =	shalt  }
0x4f: {  	_ =	shalt  }
0x50: {  	_ =	shalt  }
0x51: {  	_ =	shalt  }
0x52: {  	_ =	shalt  }
0x53: {  	_ =	shalt  }
0x54: {  	_ =	shalt  }
0x55: {  	_ =	shalt  }
0x56: {  	_ =	shalt  }
0x57: {  	_ =	shalt  }
0x58: {  	_ =	shalt  }
0x59: {  	_ =	shalt  }
0x5a: {  	_ =	shalt  }
0x5b: {  	_ =	shalt  }
0x5c: {  	_ =	shalt  }
0x5d: {  	_ =	shalt  }
0x5e: {  	_ =	shalt  }
0x5f: {  	_ =	shalt  }
0x60: {  	_ =	shalt  }
0x61: {  	_ =	shalt  }
0x62: {  	_ =	shalt  }
0x63: {  	_ =	shalt  }
0x64: {  	_ =	shalt  }
0x65: {  	_ =	shalt  }
0x66: {  	_ =	shalt  }
0x67: {  	_ =	shalt  }
0x68: {  	_ =	shalt  }
0x69: {  	_ =	shalt  }
0x6a: {  	_ =	shalt  }
0x6b: {  	_ =	shalt  }
0x6c: {  	_ =	shalt  }
0x6d: {  	_ =	shalt  }
0x6e: {  	_ =	shalt  }
0x6f: {  	_ =	shalt  }
0x70: {  	_ =	shalt  }
0x71: {  	_ =	shalt  }
0x72: {  	_ =	shalt  }
0x73: {  	_ =	shalt  }
0x74: {  	_ =	shalt  }
0x75: {  	_ =	shalt  }
0x76: {  	_ =	shalt  }
0x77: {  	_ =	shalt  }
0x78: {  	_ =	shalt  }
0x79: {  	_ =	shalt  }
0x7a: {  	_ =	shalt  }
0x7b: {  	_ =	shalt  }
0x7c: {  	_ =	shalt  }
0x7d: {  	_ =	shalt  }
0x7e: {  	_ =	shalt  }
0x7f: {  	_ =	shalt  }
0x80: {  	_ =	shalt  }
0x81: {  	_ =	shalt  }
0x82: {  	_ =	shalt  }
0x83: {  	_ =	shalt  }
0x84: {  	_ =	shalt  }
0x85: {  	_ =	shalt  }
0x86: {  	_ =	shalt  }
0x87: {  	_ =	shalt  }
.Lfunc_end0:
.L_simem_size_0:
called_computation_lowered:
.L_overlay_start_0:
0x88: {  	s2 =	sld [smem:$0x3FD9]  }
0x89: {  	s3 =	sld [smem:$0x3FFE];
	_ =	sdelay $0x1  }
0x8a: {  	s1 =	srdreg.scid  }
0x8b: {  	s0 =	sand.u32 $0x1, s1  }
0x8c: {  	s17 =	sshll.u32 s0, $0xA;
	s2 =	sadd.s32 s3, s2  }
0x8d: {  	s2 =	sadd.s32 s2, s17  }
0x8e: {  	[smem:$0x3FC5] =	sst s2  }
0x8f: {  	_ = 	snop  }
0x90: {  	s2 =	sld [smem:$0x3FC9];
	(tm) =	ssettm $0x1  }
0x91: {  	s18 =	sld [smem:$0x3FFB];
	_ =	sdelay $0x3  }
0x92: {  	_ =	strace s18  }
0x93: {  	s3 =	sld [smem:$0x3FFC];
	_ =	sdelay $0x3  }
0x94: {  	_ =	strace s3  }
0x95: {  	s3 =	sld [smem:$0x3FFD];
	_ =	sdelay $0x3  }
0x96: {  	_ =	strace s3  }
0x97: {  	_ =	strace $0x8FFFFFFF  }
0x98: {  	s19 =	sld [smem:$0x3FDB];
	_ =	sdelay $0x1  }
0x99: {  	s4 =	simm.s32 $_scs_section_size  }
0x9a: {  	s5 =	simm.s32 $_size__tile_overlayer_lowered;
	s6 =	simm.s32 $_tile_overlayer_lowered  }
0x9b: {  	s22 =	simm.s32 $0x1BFF;
	s21 =	sshll.u32 s6, $0x1;
	s3 =	sadd.s32 s4, s19  }
0x9c: {  	s7 =	simm.s32 $0x0;
	s20 =	sshll.u32 s5, $0x1;
	s5 =	sadd.s32 s21, s3  }
0x9d: {  	[timem:s7], [sflag:s22] =	dma.local [hbm:s5], s20  }
0x9e: {  	_ =	swait.ge [sflag:s22], s20  }
0x9f: {  	s4 =	ssub.s32 $0x0, s20;
	[sflag:s22] =	ssyncset.done $0x0  }
0xa0: {  	[sflag:s22] =	ssyncadd.s32 s4;
	_ =	sdelay $0x1  }
0xa1: {  	s23 =	simm.s32 $0x1B8B  }
0xa2: {  	_ =	swait.ge [sflag:s23], $0x1  }
0xa3: {  	[sflag:s23] =	ssyncset.done $0x0  }
0xa4: {  	s25 =	simm.s32 $0x1B8E;
	s24 =	sld [smem:$0x3FFE];
	[sflag:s23] =	ssyncadd.s32 $0xFFFFFFFF  }
0xa5: {  	s26 =	simm.s32 $execute0_lowered;
	[smem:$0x3FD2] =	sst s25  }
0xa6: {  	s5 =	sshll.u32 s26, $0x1;
	_ =	strace $0x80000046;
	[dreg:$0x1] =	wrdreg $0xFFFFFFFF  }
0xa7: {  	s28 =	simm.s32 $_size_execute0_lowered;
	s3 =	sadd.s32 s3, s5;
	[dreg:$0x0] =	wrdreg $0x0  }
0xa8: {  	s5 =	sshll.u32 s28, $0x1;
	[dreg:$0x2] =	wrdreg s3  }
0xa9: {  	[dreg:$0x3] =	wrdreg s5  }
0xaa: {  	[dreg:$0x4] =	wrdreg $0xC0  }
0xab: {  	_ =	task [dreg:s7], $0x5FFFF  }
0xac: {  	[dreg:$0x1] =	wrdreg $0xFFFFFFFF  }
0xad: {  	[dreg:$0x0] =	wrdreg $0x60  }
0xae: {  	[dreg:$0x2] =	wrdreg s2  }
0xaf: {  	[dreg:$0x3] =	wrdreg s24  }
0xb0: {  	[dreg:$0x4] =	wrdreg $0x9  }
0xb1: {  	_ =	task.clear_ibuf [dreg:s7], $0x5FFFF;
	_ =	strace $0x90000046  }
0xb2: {  	s29 =	simm.s32 $0x9;
	_ =	strace $0x80000048  }
0xb3: {  	_ =	swait.ge [sflag:s29], $0x1  }
0xb4: {  	[sflag:s29] =	ssyncadd.s32 $0xFFFFFFFF  }
0xb5: {  	_ =	strace $0x90000048  }
0xb6: {  	_ =	sfence  }
0xb7: {  	s30 =	sld [smem:$0x0];
	_ =	sdelay $0x2  }
0xb8: {  	s31 =	sshll.u32 s1, $0xD;
	s1 =	sshrl.u32 s1, $0x2  }
0xb9: {  	s3 =	sand.u32 $0x4000, s31;
	s1 =	sadd.s32 s1, s30  }
0xba: {  	s0 =	sor.u32 s3, s0;
	s1 =	sshll.u32 s1, $0x11  }
0xbb: {  	s0 =	sor.u32 s1, s0  }
0xbc: {  	s0 =	sadd.s32 $0x8F2B, s0  }
0xbd: {  	[sflag:s0] =	ssyncadd.remote.s32 $0x1  }
0xbe: {  	_ =	sfence.sel $0xFFFF  }
0xbf: {  	[dreg:$0x0] =	wrdreg $0xFFFFFFFF;
	(pc) =	sbr.abs _section_cstart, $3  }
0xc0: {  	[dreg:$0x1] =	wrdreg $0xFFFFFFFF  }
0xc1: {  	_ =	task.clear_ibuf [dreg:s7], $0x2FFFF;
	_ =	strace $0x9FFFFFFF  }
0xc2: {  	(tm) =	ssettm $0x7FFFFFFF  }
0xc3: {  	_ =	shalt  }
tec
execute0_lowered:
.L_overlay_start_1:
0x0: {  	(tag) =	ssettag $0x1  }
0x1: {  	s5 =	rddreg [dreg:$0x0]  }
0x2: {  	s6 =	rddreg [dreg:$0x1];
	s1 =	srdreg.scid  }
0x3: {  	s0 =	rddreg [dreg:$0x2];
	s2 =	simm.s32 $0x0;
	s13 =	simm.s32 $0x200  }
0x4: {  	s14 =	simm.s32 $0x10400;
	s15 =	simm.s32 $0x400;
	s16 =	simm.s32 $0x1  }
0x5: {  	s17 =	simm.s32 $0x10C00;
	s18 =	simm.s32 $0x0;
	s7 =	sand.u32 $0x1, s1  }
0x6: {  	[smem:$0x7FF] =	sst s2;
	s1 =	stileid.u32;
	s3 =	sadd.s32 $0x400, s6  }
0x7: {  	s4 =	sshll.u32 s7, $0x4;
	_ =	strace $0x80000047;
	s10 =	sshll.u32 s1, $0x4  }
0x8: {  	s7 =	ssub.s32 $0x2, s7;
	s8 =	sor.u32 s1, s4;
	s4 =	sadd.s32 $0x200, s6  }
0x9: {  	s10 =	sand.u32 $0x70, s10;
	s30 =	sshrl.u32 s7, $0x1;
	s9 =	sshll.u32 s8, $0x8  }
0xa: {  	s10 =	sadd.s32 s10, s6;
	s11 =	sshll.u32 s8, $0xF;
	s12 =	ssub.s32 s7, s30  }
0xb: {  	s8 =	sshll.u32 s8, $0x4;
	s9 =	sadd.s32 s9, s6;
	s5 =	sadd.s32 s5, s11  }
0xc: {  	s31 =	sand.u32 $0x180, s8;
	s11 =	smax.u32 s12, $0x1;
	s12 =	simm.s32 $0x2  }
0xd: {  	s6 =	sadd.s32 $0x600, s9;
	s7 =	sadd.s32 $0x2000, s5;
	s10 =	sadd.s32 s31, s10  }
0xe: {  	s8 =	sadd.s32 $0x4000, s5;
	s9 =	sadd.s32 $0x6000, s5;
	s10 =	sadd.s32 $0x2600, s10  }
.LBB2_1:
0xf: {  	[tilespmem:s2], [sflag:$0x2] =	stream.linear.gather [hbm4b:s3+s2], $0x200, $0x38;
	[tilespmem:$0x10C80] =	vst v63  }
0x10: {  	_ =	swait.ge [sflag:s12], $0x200  }
0x11: {  	[sflag:s12] =	ssyncset.done $0x0  }
0x12: {  	[sflag:s12] =	ssyncadd.s32 $0xFFFFFE00  }
0x13: {  	[tilespmem:s13], [sflag:$0x2] =	stream.linear.gather [hbm4b:s4+s2], $0x200, $0x38;
	[tilespmem:$0x10C80] =	vst v63  }
0x14: {  	_ =	swait.ge [sflag:s12], $0x200  }
0x15: {  	[sflag:s12] =	ssyncset.done $0x0  }
0x16: {  	[sflag:s12] =	ssyncadd.s32 $0xFFFFFE00  }
0x17: {  	[tilespmem:s14], [sflag:$0x2] =	stream.linear.gather [hbm4b:s6+s2], $0x800, $0x38;
	[tilespmem:$0x10C80] =	vst v63  }
0x18: {  	_ =	swait.ge [sflag:s12], $0x800  }
0x19: {  	[sflag:s12] =	ssyncset.done $0x0  }
0x1a: {  	[sflag:s12] =	ssyncadd.s32 $0xFFFFF800  }
0x1b: {  	[tilespmem:s15], [sflag:$0x1] =	stream.linear.gather [hbm4b:s5+s2], $0x10000, $0x38;
	[tilespmem:$0x10C80] =	vst v63  }
0x1c: {  	_ =	swait.ge [sflag:s16], $0x10000  }
0x1d: {  	[sflag:s16] =	ssyncset.done $0x0  }
0x1e: {  	s20 =	simm.s32 $0x0;
	[sflag:s16] =	ssyncadd.s32 $0xFFFF0000  }
0x1f: {  	v0 =	vld [tilespmem:s20+$0x0]  }
0x20: {  	v1 =	vld [tilespmem:s20+$0x200];
	_ =	sdelay $0x3  }
0x21: {  	s22 =	simm.s32 $0x10  }
0x22: {  	v2 =	vld [tilespmem:s22+$0x0];
	v3 =	vshll.u32 v0, $0x8;
	v4 =	vshll.u32 v1, $0x3  }
0x23: {  	v5 =	vld [tilespmem:s22+$0x200];
	v0 =	vshll.u32 v0, $0x7;
	v3 =	vand.u32 $0xFFFFF800, v3;
	v4 =	vand.u32 $0xFFFFFC00, v4  }
0x24: {  	v0 =	vand.u32 $0x380, v0;
	v3 =	vadd.s32 v3, v4  }
0x25: {  	v1 =	vand.u32 $0x7F, v1;
	v0 =	vor.u32 v0, v3  }
0x26: {  	v0 =	vor.u32 v1, v0  }
0x27: {  	s19 =	simm.s32 $0x20  }
0x28: {  	v6 =	vld [tilespmem:s19+$0x200];
	v4 =	vshll.u32 v5, $0x3;
	v3 =	vshll.u32 v2, $0x8  }
0x29: {  	v2 =	vshll.u32 v2, $0x7;
	v4 =	vand.u32 $0xFFFFFC00, v4;
	v1 =	vld [tilespmem:s19+$0x0];
	v3 =	vand.u32 $0xFFFFF800, v3  }
0x2a: {  	v2 =	vand.u32 $0x380, v2;
	v3 =	vadd.s32 v3, v4  }
0x2b: {  	v4 =	vand.u32 $0x7F, v5;
	v2 =	vor.u32 v2, v3;
	v3 =	vld.idx.msk [tilespmem:v0+s15+$0x0], $0xffff  }
0x2c: {  	v0 =	vor.u32 v4, v2;
	v2 =	vld [tilespmem:s20+$0x10400]  }
0x2d: {  	s20 =	simm.s32 $0x30  }
0x2e: {  	v7 =	vshll.u32 v6, $0x3;
	v5 =	vshll.u32 v1, $0x8;
	v4 =	vld [tilespmem:s20+$0x0]  }
0x2f: {  	v7 =	vand.u32 $0xFFFFFC00, v7;
	v1 =	vshll.u32 v1, $0x7;
	v8 =	vand.u32 $0xFFFFF800, v5;
	v5 =	vld [tilespmem:s20+$0x200]  }
0x30: {  	v1 =	vand.u32 $0x380, v1;
	v7 =	vadd.s32 v8, v7  }
0x31: {  	v6 =	vand.u32 $0x7F, v6;
	v7 =	vor.u32 v1, v7;
	v1 =	vld.idx.msk [tilespmem:v0+s15+$0x0], $0xffff;
	v3 =	vsub.f32 v3, v2  }
0x32: {  	s21 =	simm.s32 $0x100;
	v6 =	vor.u32 v6, v7;
	v0 =	vimm.f32 $0.0e+00;
	v2 =	vld [tilespmem:s22+$0x10400]  }
.LBB2_2:
0x33: {  	s22 =	sshra.s32 s21, $0x2;
	v3 =	vmul.f32 v3, v3;
	p0 =	sne.s32 s21, $0x7C0  }
.Ltmp0:
0x34: {  	s21 =	sadd.s32 $0x40, s21;
	v7 =	vshll.u32 v4, $0x8;
	v9 =	vshll.u32 v4, $0x7;
	v8 =	vshll.u32 v5, $0x3;
	v4 =	vld [tilespmem:s22+$0x0];
	v10 =	vmovc v5;
	(pc) =	sbr.rel @p0 .LBB2_2-.Ltmp0, $4  }
0x35: {  	v7 =	vand.u32 $0xFFFFF800, v7;
	v5 =	vld [tilespmem:s22+$0x200];
	v8 =	vand.u32 $0xFFFFFC00, v8;
	v0 =	vadd.f32 v3, v0  }
0x36: {  	v3 =	vadd.s32 v7, v8;
	v7 =	vand.u32 $0x380, v9  }
0x37: {  	v8 =	vand.u32 $0x7F, v10;
	v7 =	vor.u32 v7, v3;
	v3 =	vsub.f32 v1, v2;
	v1 =	vld.idx.msk [tilespmem:v6+s15+$0x0], $0xffff  }
0x38: {  	v6 =	vor.u32 v8, v7;
	v2 =	vld [tilespmem:s19+$0x10400];
	s19 =	smov.u32 s20;
	s20 =	smov.u32 s22  }
0x39: {  	_ = 	snop  }
0x3a: {  	v7 =	vshll.u32 v4, $0x8;
	v8 =	vshll.u32 v5, $0x3  }
0x3b: {  	v4 =	vshll.u32 v4, $0x7;
	v7 =	vand.u32 $0xFFFFF800, v7;
	v8 =	vand.u32 $0xFFFFFC00, v8  }
0x3c: {  	v4 =	vand.u32 $0x380, v4;
	v7 =	vadd.s32 v7, v8  }
0x3d: {  	v5 =	vand.u32 $0x7F, v5;
	v4 =	vor.u32 v4, v7  }
0x3e: {  	v4 =	vor.u32 v5, v4;
	_ =	sdelay $0x1  }
0x3f: {  	v7 =	vld [tilespmem:s20+$0x10400]  }
0x40: {  	v5 =	vld.idx.msk [tilespmem:v6+s15+$0x0], $0xffff  }
0x41: {  	s29 =	simm.s32 $0x0;
	v6 =	vld [tilespmem:s19+$0x10400]  }
0x42: {  	v4 =	vld.idx.msk [tilespmem:v4+s15+$0x0], $0xffff;
	[tilespmem:s15], [sflag:$0x1] =	stream.linear.gather [hbm4b:s7+s29], $0x10000, $0x38  }
0x43: {  	_ =	swait.ge [sflag:s16], $0x10000  }
0x44: {  	[sflag:s16] =	ssyncset.done $0x0  }
0x45: {  	[sflag:s16] =	ssyncadd.s32 $0xFFFF0000  }
0x46: {  	s30 =	simm.s32 $0x200;
	v8 =	vld [tilespmem:s29+$0x0]  }
0x47: {  	v9 =	vld [tilespmem:s30+$0x0];
	_ =	sdelay $0x2  }
0x48: {  	s22 =	simm.s32 $0x10  }
0x49: {  	s31 =	simm.s32 $0x210;
	v3 =	vmul.f32 v3, v3;
	v12 =	vld [tilespmem:s22+$0x0]  }
0x4a: {  	v1 =	vsub.f32 v1, v2;
	v59 =	vld [tilespmem:s31+$0x0];
	v10 =	vshll.u32 v8, $0x8;
	v11 =	vshll.u32 v9, $0x3  }
0x4b: {  	v8 =	vshll.u32 v8, $0x7;
	v10 =	vand.u32 $0xFFFFF800, v10;
	v11 =	vand.u32 $0xFFFFFC00, v11  }
0x4c: {  	v0 =	vadd.f32 v3, v0;
	v8 =	vand.u32 $0x380, v8;
	v10 =	vadd.s32 v10, v11  }
0x4d: {  	s19 =	simm.s32 $0x20;
	v1 =	vmul.f32 v1, v1;
	v9 =	vand.u32 $0x7F, v9;
	v8 =	vor.u32 v8, v10  }
0x4e: {  	s21 =	simm.s32 $0x220;
	v3 =	vsub.f32 v5, v6;
	v5 =	vld [tilespmem:s19+$0x0];
	v2 =	vor.u32 v9, v8  }
0x4f: {  	v0 =	vadd.f32 v1, v0;
	v61 =	vld [tilespmem:s21+$0x0];
	v6 =	vshll.u32 v12, $0x8;
	v8 =	vshll.u32 v59, $0x3  }
0x50: {  	v60 =	vshll.u32 v12, $0x7;
	v6 =	vand.u32 $0xFFFFF800, v6;
	v8 =	vand.u32 $0xFFFFFC00, v8  }
0x51: {  	s20 =	sand.u32 $0x1F0, s29;
	v3 =	vmul.f32 v3, v3;
	v1 =	vadd.s32 v6, v8;
	v6 =	vand.u32 $0x380, v60  }
0x52: {  	v4 =	vsub.f32 v4, v7;
	v8 =	vand.u32 $0x7F, v59;
	v1 =	vor.u32 v6, v1;
	v6 =	vld [tilespmem:s20+$0x10600]  }
0x53: {  	v0 =	vadd.f32 v3, v0;
	v1 =	vor.u32 v8, v1;
	v2 =	vld.idx.msk [tilespmem:v2+s15+$0x0], $0xffff  }
0x54: {  	v3 =	vmul.f32 v4, v4;
	v7 =	vshll.u32 v5, $0x8;
	s20 =	simm.s32 $0x30;
	v8 =	vshll.u32 v61, $0x3  }
0x55: {  	s21 =	simm.s32 $0x230;
	v62 =	vshll.u32 v5, $0x7;
	v5 =	vand.u32 $0xFFFFF800, v7;
	v4 =	vld [tilespmem:s20+$0x0];
	v7 =	vand.u32 $0xFFFFFC00, v8  }
0x56: {  	v7 =	vadd.s32 v5, v7;
	v5 =	vld [tilespmem:s21+$0x0]  }
0x57: {  	v8 =	vand.u32 $0x380, v62  }
0x58: {  	s23 =	sand.u32 $0x1F0, s22;
	v1 =	vld.idx.msk [tilespmem:v1+s15+$0x0], $0xffff;
	v63 =	vsub.f32 v2, v6;
	v2 =	vand.u32 $0x7F, v61;
	v6 =	vor.u32 v8, v7  }
0x59: {  	v6 =	vor.u32 v2, v6;
	v2 =	vld [tilespmem:s23+$0x10600]  }
0x5a: {  	s22 =	simm.s32 $0x40;
	v0 =	vadd.f32 v3, v0;
	s23 =	simm.s32 $0x40;
	v3 =	vmul.f32 v63, v63  }
.LBB2_4:
0x5b: {  	v7 =	vshll.u32 v4, $0x8;
	v8 =	vshll.u32 v5, $0x3;
	v9 =	vshll.u32 v4, $0x7;
	v4 =	vld [tilespmem:s23+$0x0];
	s21 =	sadd.s32 $0x10, s21;
	v10 =	vmovc v5;
	s24 =	smov.u32 s22;
	p0 =	sne.s32 s22, $0x1F0  }
.Ltmp1:
0x5c: {  	s22 =	sadd.s32 $0x10, s22;
	v5 =	vld [tilespmem:s21+$0x0];
	v7 =	vand.u32 $0xFFFFF800, v7;
	v8 =	vand.u32 $0xFFFFFC00, v8;
	v0 =	vadd.f32 v3, v0;
	(pc) =	sbr.rel @p0 .LBB2_4-.Ltmp1, $4  }
0x5d: {  	v3 =	vadd.s32 v7, v8;
	v7 =	vand.u32 $0x380, v9  }
0x5e: {  	s25 =	sand.u32 $0x1F0, s19;
	s19 =	smov.u32 s20;
	s20 =	smov.u32 s24;
	v8 =	vand.u32 $0x7F, v10;
	v3 =	vor.u32 v7, v3;
	v7 =	vsub.f32 v1, v2;
	v1 =	vld.idx.msk [tilespmem:v6+s15+$0x0], $0xffff  }
0x5f: {  	v6 =	vor.u32 v8, v3;
	v2 =	vld [tilespmem:s25+$0x10600]  }
0x60: {  	s23 =	sadd.s32 $0x10, s23;
	v3 =	vmul.f32 v7, v7  }
0x61: {  	v7 =	vshll.u32 v4, $0x8;
	v8 =	vshll.u32 v5, $0x3  }
0x62: {  	v4 =	vshll.u32 v4, $0x7;
	v7 =	vand.u32 $0xFFFFF800, v7;
	v8 =	vand.u32 $0xFFFFFC00, v8  }
0x63: {  	v4 =	vand.u32 $0x380, v4;
	v7 =	vadd.s32 v7, v8  }
0x64: {  	v5 =	vand.u32 $0x7F, v5;
	v4 =	vor.u32 v4, v7  }
0x65: {  	v4 =	vor.u32 v5, v4  }
0x66: {  	s28 =	sand.u32 $0x1F0, s20  }
0x67: {  	v7 =	vld [tilespmem:s28+$0x10600]  }
0x68: {  	s19 =	sand.u32 $0x1F0, s19;
	v5 =	vld.idx.msk [tilespmem:v6+s15+$0x0], $0xffff  }
0x69: {  	s29 =	simm.s32 $0x0;
	v6 =	vld [tilespmem:s19+$0x10600]  }
0x6a: {  	v4 =	vld.idx.msk [tilespmem:v4+s15+$0x0], $0xffff;
	[tilespmem:s15], [sflag:$0x1] =	stream.linear.gather [hbm4b:s8+s29], $0x10000, $0x38  }
0x6b: {  	_ =	swait.ge [sflag:s16], $0x10000  }
0x6c: {  	[sflag:s16] =	ssyncset.done $0x0  }
0x6d: {  	[sflag:s16] =	ssyncadd.s32 $0xFFFF0000  }
0x6e: {  	s30 =	simm.s32 $0x200;
	v8 =	vld [tilespmem:s29+$0x0]  }
0x6f: {  	v9 =	vld [tilespmem:s30+$0x0];
	_ =	sdelay $0x2  }
0x70: {  	s22 =	simm.s32 $0x10  }
0x71: {  	s31 =	simm.s32 $0x210;
	v12 =	vld [tilespmem:s22+$0x0]  }
0x72: {  	v1 =	vsub.f32 v1, v2;
	v59 =	vld [tilespmem:s31+$0x0];
	v10 =	vshll.u32 v8, $0x8;
	v11 =	vshll.u32 v9, $0x3  }
0x73: {  	v8 =	vshll.u32 v8, $0x7;
	v10 =	vand.u32 $0xFFFFF800, v10;
	v11 =	vand.u32 $0xFFFFFC00, v11  }
0x74: {  	v0 =	vadd.f32 v3, v0;
	v8 =	vand.u32 $0x380, v8;
	v10 =	vadd.s32 v10, v11  }
0x75: {  	s19 =	simm.s32 $0x20;
	v1 =	vmul.f32 v1, v1;
	v9 =	vand.u32 $0x7F, v9;
	v8 =	vor.u32 v8, v10  }
0x76: {  	s21 =	simm.s32 $0x220;
	v3 =	vsub.f32 v5, v6;
	v5 =	vld [tilespmem:s19+$0x0];
	v2 =	vor.u32 v9, v8  }
0x77: {  	v0 =	vadd.f32 v1, v0;
	v61 =	vld [tilespmem:s21+$0x0];
	v6 =	vshll.u32 v12, $0x8;
	v8 =	vshll.u32 v59, $0x3  }
0x78: {  	v60 =	vshll.u32 v12, $0x7;
	v6 =	vand.u32 $0xFFFFF800, v6;
	v8 =	vand.u32 $0xFFFFFC00, v8  }
0x79: {  	s20 =	sand.u32 $0x1F0, s29;
	v3 =	vmul.f32 v3, v3;
	v1 =	vadd.s32 v6, v8;
	v6 =	vand.u32 $0x380, v60  }
0x7a: {  	v4 =	vsub.f32 v4, v7;
	v8 =	vand.u32 $0x7F, v59;
	v1 =	vor.u32 v6, v1;
	v6 =	vld [tilespmem:s20+$0x10800]  }
0x7b: {  	v0 =	vadd.f32 v3, v0;
	v1 =	vor.u32 v8, v1;
	v2 =	vld.idx.msk [tilespmem:v2+s15+$0x0], $0xffff  }
0x7c: {  	v3 =	vmul.f32 v4, v4;
	v7 =	vshll.u32 v5, $0x8;
	s20 =	simm.s32 $0x30;
	v8 =	vshll.u32 v61, $0x3  }
0x7d: {  	s21 =	simm.s32 $0x230;
	v62 =	vshll.u32 v5, $0x7;
	v5 =	vand.u32 $0xFFFFF800, v7;
	v4 =	vld [tilespmem:s20+$0x0];
	v7 =	vand.u32 $0xFFFFFC00, v8  }
0x7e: {  	v7 =	vadd.s32 v5, v7;
	v5 =	vld [tilespmem:s21+$0x0]  }
0x7f: {  	v8 =	vand.u32 $0x380, v62  }
0x80: {  	s23 =	sand.u32 $0x1F0, s22;
	v1 =	vld.idx.msk [tilespmem:v1+s15+$0x0], $0xffff;
	v63 =	vsub.f32 v2, v6;
	v2 =	vand.u32 $0x7F, v61;
	v6 =	vor.u32 v8, v7  }
0x81: {  	v6 =	vor.u32 v2, v6;
	v2 =	vld [tilespmem:s23+$0x10800]  }
0x82: {  	s22 =	simm.s32 $0x40;
	v0 =	vadd.f32 v3, v0;
	s23 =	simm.s32 $0x40;
	v3 =	vmul.f32 v63, v63  }
.LBB2_6:
0x83: {  	v7 =	vshll.u32 v4, $0x8;
	v8 =	vshll.u32 v5, $0x3;
	v9 =	vshll.u32 v4, $0x7;
	v4 =	vld [tilespmem:s23+$0x0];
	s21 =	sadd.s32 $0x10, s21;
	v10 =	vmovc v5;
	s24 =	smov.u32 s22;
	p0 =	sne.s32 s22, $0x1F0  }
.Ltmp2:
0x84: {  	s22 =	sadd.s32 $0x10, s22;
	v5 =	vld [tilespmem:s21+$0x0];
	v7 =	vand.u32 $0xFFFFF800, v7;
	v8 =	vand.u32 $0xFFFFFC00, v8;
	v0 =	vadd.f32 v3, v0;
	(pc) =	sbr.rel @p0 .LBB2_6-.Ltmp2, $4  }
0x85: {  	v3 =	vadd.s32 v7, v8;
	v7 =	vand.u32 $0x380, v9  }
0x86: {  	s25 =	sand.u32 $0x1F0, s19;
	s19 =	smov.u32 s20;
	s20 =	smov.u32 s24;
	v8 =	vand.u32 $0x7F, v10;
	v3 =	vor.u32 v7, v3;
	v7 =	vsub.f32 v1, v2;
	v1 =	vld.idx.msk [tilespmem:v6+s15+$0x0], $0xffff  }
0x87: {  	v6 =	vor.u32 v8, v3;
	v2 =	vld [tilespmem:s25+$0x10800]  }
0x88: {  	s23 =	sadd.s32 $0x10, s23;
	v3 =	vmul.f32 v7, v7  }
0x89: {  	v7 =	vshll.u32 v4, $0x8;
	v8 =	vshll.u32 v5, $0x3  }
0x8a: {  	v4 =	vshll.u32 v4, $0x7;
	v7 =	vand.u32 $0xFFFFF800, v7;
	v8 =	vand.u32 $0xFFFFFC00, v8  }
0x8b: {  	v4 =	vand.u32 $0x380, v4;
	v7 =	vadd.s32 v7, v8  }
0x8c: {  	v5 =	vand.u32 $0x7F, v5;
	v4 =	vor.u32 v4, v7  }
0x8d: {  	v4 =	vor.u32 v5, v4  }
0x8e: {  	s28 =	sand.u32 $0x1F0, s20  }
0x8f: {  	v7 =	vld [tilespmem:s28+$0x10800]  }
0x90: {  	s19 =	sand.u32 $0x1F0, s19;
	v5 =	vld.idx.msk [tilespmem:v6+s15+$0x0], $0xffff  }
0x91: {  	s29 =	simm.s32 $0x0;
	v6 =	vld [tilespmem:s19+$0x10800]  }
0x92: {  	v4 =	vld.idx.msk [tilespmem:v4+s15+$0x0], $0xffff;
	[tilespmem:s15], [sflag:$0x1] =	stream.linear.gather [hbm4b:s9+s29], $0x10000, $0x38  }
0x93: {  	_ =	swait.ge [sflag:s16], $0x10000  }
0x94: {  	[sflag:s16] =	ssyncset.done $0x0  }
0x95: {  	[sflag:s16] =	ssyncadd.s32 $0xFFFF0000  }
0x96: {  	s30 =	simm.s32 $0x200;
	v8 =	vld [tilespmem:s29+$0x0]  }
0x97: {  	v9 =	vld [tilespmem:s30+$0x0];
	_ =	sdelay $0x2  }
0x98: {  	s22 =	simm.s32 $0x10  }
0x99: {  	s31 =	simm.s32 $0x210;
	v12 =	vld [tilespmem:s22+$0x0]  }
0x9a: {  	v61 =	vld [tilespmem:s31+$0x0];
	v10 =	vshll.u32 v8, $0x8;
	v11 =	vshll.u32 v9, $0x3  }
0x9b: {  	v8 =	vshll.u32 v8, $0x7;
	v10 =	vand.u32 $0xFFFFF800, v10;
	v11 =	vand.u32 $0xFFFFFC00, v11  }
0x9c: {  	v1 =	vsub.f32 v1, v2;
	v8 =	vand.u32 $0x380, v8;
	v10 =	vadd.s32 v10, v11  }
0x9d: {  	s21 =	simm.s32 $0x220;
	v9 =	vand.u32 $0x7F, v9;
	v8 =	vor.u32 v8, v10  }
0x9e: {  	v0 =	vadd.f32 v3, v0;
	s19 =	simm.s32 $0x20;
	v1 =	vmul.f32 v1, v1;
	v63 =	vld [tilespmem:s21+$0x0];
	v2 =	vor.u32 v9, v8  }
0x9f: {  	v3 =	vsub.f32 v5, v6;
	v5 =	vld [tilespmem:s19+$0x0];
	v6 =	vshll.u32 v12, $0x8;
	v8 =	vshll.u32 v61, $0x3  }
0xa0: {  	v62 =	vshll.u32 v12, $0x7;
	v6 =	vand.u32 $0xFFFFF800, v6;
	v8 =	vand.u32 $0xFFFFFC00, v8  }
0xa1: {  	s20 =	sand.u32 $0x1F0, s29;
	v0 =	vadd.f32 v1, v0;
	v1 =	vadd.s32 v6, v8;
	v6 =	vand.u32 $0x380, v62  }
0xa2: {  	v4 =	vsub.f32 v4, v7;
	v1 =	vor.u32 v6, v1;
	v6 =	vld [tilespmem:s20+$0x10A00]  }
0xa3: {  	v7 =	vshll.u32 v63, $0x3;
	v8 =	vld.idx.msk [tilespmem:v2+s15+$0x0], $0xffff;
	v2 =	vmul.f32 v3, v3;
	v3 =	vand.u32 $0x7F, v61  }
0xa4: {  	v7 =	vand.u32 $0xFFFFFC00, v7;
	s20 =	simm.s32 $0x30;
	v1 =	vor.u32 v3, v1;
	v3 =	vshll.u32 v5, $0x8  }
0xa5: {  	s21 =	simm.s32 $0x230;
	v5 =	vshll.u32 v5, $0x7;
	v0 =	vadd.f32 v2, v0;
	v2 =	vld [tilespmem:s20+$0x0];
	v3 =	vand.u32 $0xFFFFF800, v3  }
0xa6: {  	v4 =	vmul.f32 v4, v4;
	v5 =	vand.u32 $0x380, v5;
	v7 =	vadd.s32 v3, v7;
	v3 =	vld [tilespmem:s21+$0x0]  }
0xa7: {  	s23 =	sand.u32 $0x1F0, s22;
	v5 =	vor.u32 v5, v7  }
0xa8: {  	v0 =	vadd.f32 v4, v0;
	v4 =	vld [tilespmem:s23+$0x10A00];
	v6 =	vsub.f32 v8, v6;
	v8 =	vand.u32 $0x7F, v63  }
0xa9: {  	v1 =	vld.idx.msk [tilespmem:v1+s15+$0x0], $0xffff;
	v5 =	vor.u32 v8, v5  }
0xaa: {  	s22 =	simm.s32 $0x40;
	s23 =	simm.s32 $0x40;
	v6 =	vmul.f32 v6, v6  }
.LBB2_8:
0xab: {  	v7 =	vshll.u32 v2, $0x8;
	v8 =	vshll.u32 v3, $0x3;
	v9 =	vshll.u32 v2, $0x7;
	v2 =	vld [tilespmem:s23+$0x0];
	s21 =	sadd.s32 $0x10, s21;
	v10 =	vmovc v3;
	s24 =	smov.u32 s22;
	p0 =	sne.s32 s22, $0x1F0  }
.Ltmp3:
0xac: {  	s22 =	sadd.s32 $0x10, s22;
	v3 =	vld [tilespmem:s21+$0x0];
	v7 =	vand.u32 $0xFFFFF800, v7;
	v8 =	vand.u32 $0xFFFFFC00, v8;
	v0 =	vadd.f32 v6, v0;
	(pc) =	sbr.rel @p0 .LBB2_8-.Ltmp3, $4  }
0xad: {  	v6 =	vadd.s32 v7, v8;
	v7 =	vand.u32 $0x380, v9  }
0xae: {  	s25 =	sand.u32 $0x1F0, s19;
	s19 =	smov.u32 s20;
	s20 =	smov.u32 s24;
	v8 =	vand.u32 $0x7F, v10;
	v6 =	vor.u32 v7, v6;
	v7 =	vsub.f32 v1, v4;
	v1 =	vld.idx.msk [tilespmem:v5+s15+$0x0], $0xffff  }
0xaf: {  	v5 =	vor.u32 v8, v6;
	v4 =	vld [tilespmem:s25+$0x10A00]  }
0xb0: {  	s23 =	sadd.s32 $0x10, s23;
	v6 =	vmul.f32 v7, v7  }
0xb1: {  	v7 =	vshll.u32 v2, $0x8;
	v8 =	vshll.u32 v3, $0x3  }
0xb2: {  	v57 =	vshll.u32 v2, $0x7;
	v7 =	vand.u32 $0xFFFFF800, v7;
	v8 =	vand.u32 $0xFFFFFC00, v8  }
0xb3: {  	v2 =	vand.u32 $0x380, v57;
	v7 =	vadd.s32 v7, v8  }
0xb4: {  	v58 =	vand.u32 $0x7F, v3;
	v2 =	vor.u32 v2, v7  }
0xb5: {  	v2 =	vor.u32 v58, v2;
	_ =	sdelay $0x1  }
0xb6: {  	v59 =	vld.idx.msk [tilespmem:v5+s15+$0x0], $0xffff;
	s19 =	sand.u32 $0x1F0, s19  }
0xb7: {  	s31 =	sand.u32 $0x1F0, s20;
	v60 =	vld [tilespmem:s19+$0x10A00]  }
0xb8: {  	v61 =	vld [tilespmem:s31+$0x10A00]  }
0xb9: {  	v2 =	vld.idx.msk [tilespmem:v2+s15+$0x0], $0xffff  }
0xba: {  	v1 =	vsub.f32 v1, v4;
	_ =	sdelay $0x1  }
0xbb: {  	v0 =	vadd.f32 v6, v0;
	v1 =	vmul.f32 v1, v1;
	v3 =	vsub.f32 v59, v60;
	_ =	sdelay $0x1  }
0xbc: {  	v0 =	vadd.f32 v1, v0;
	v62 =	vmul.f32 v3, v3;
	v2 =	vsub.f32 v2, v61;
	_ =	sdelay $0x1  }
0xbd: {  	v0 =	vadd.f32 v62, v0;
	v63 =	vmul.f32 v2, v2;
	_ =	sdelay $0x1  }
0xbe: {  	v0 =	vadd.f32 v63, v0;
	_ =	sdelay $0x1  }
0xbf: {  	s18 =	sadd.s32 $0x1, s18;
	v0 =	vmul.f32 $3.051757810e-04, v0  }
0xc0: {  	p0 =	sne.s32 s18, s11  }
.Ltmp4:
0xc1: {  	[tilespmem:$0x10C00] =	vst v0;
	(pc) =	sbr.rel @p0 .LBB2_1-.Ltmp4, $4  }
0xc2: {  	[hbm4b:s10+s2] =	stream.linear.scatter [tilespmem:s17], [sflag:$0x2], $0x80, $0x38;
	[tilespmem:$0x10C80] =	vst v63  }
0xc3: {  	_ =	swait.ge [sflag:s12], $0x80  }
0xc4: {  	[sflag:s12] =	ssyncset.done $0x0  }
0xc5: {  	[sflag:s12] =	ssyncadd.s32 $0xFFFFFF80  }
0xc6: {  	_ =	sfence.sel $0x180000  }
0xc7: {  	[bflag:$0x0] =	sbarrier.arrive $0xFFFF  }
0xc8: {  	p0 =	sne.s32 s1, $0x0;
	_ =	strace $0x90000047  }
0xc9: {  	s0 =	sadd.s32 @!p0 $0x100000, s0;
	[bflag:$0x2] =	sbarrier.arrive $0xFFFF  }
0xca: {  	[sflag:s0] =	ssyncadd.tile.s32 @!p0 $0x1;
	_ =	shalt  }
.Lfunc_end2:
_tile_overlayer_lowered:
.L_overlay_start_2:
0xcb: {  	(tag) =	ssettag $0x2  }
0xcc: {  	s0 =	rddreg [dreg:$0x0];
	s2 =	stileid.u32  }
0xcd: {  	s1 =	rddreg [dreg:$0x1];
	p0 =	sne.s32 s2, $0x0  }
0xce: {  	s3 =	rddreg [dreg:$0x2];
	[bflag:$0x3] =	sbarrier.arrive $0xFFFF;
	s2 =	simm.s32 @!p0 $0x1C02  }
0xcf: {  	[timem:s3], [sflag:s2] =	dma.local @!p0 [hbm:s0], s1  }
0xd0: {  	s0 =	simm.s32 @!p0 $0x2  }
0xd1: {  	_ =	swait.ge @!p0 [sflag:s0], s1  }
0xd2: {  	s1 =	ssub.s32 @!p0 $0x0, s1;
	[sflag:s0] =	ssyncset.done @!p0 $0x0  }
0xd3: {  	[sflag:s0] =	ssyncadd.s32 @!p0 s1  }
0xd4: {  	[bflag:$0x3] =	sbarrier.arrive $0xFFFF  }
0xd5: {  	_ =	shalt  }

</sc_bundles>
